<compile_context>
chip_gen: v7x
topology: tpu7x:2x2x1
jax: 0.10.2.dev20260603
libtpu: 0.0.44.dev20260713+nightly
codegen_flags: <defaults>
</compile_context>

<pallas_src>
import functools
import math

import jax
import jax.numpy as jnp
from jax import lax
from jax.experimental import pallas as pl
from jax.experimental.pallas import tpu as pltpu
from jax.experimental.pallas import tpu_sc as plsc

SCALE_POS = 2.0 * math.pi
TF = 2.0
KWN = 13
N_SIGMAS = 2000
SEGS = 100000
SEGS_PAD = 100096



def _sc_mesh():
    return plsc.VectorSubcoreMesh(core_axis_name="c", subcore_axis_name="s")


@jax.jit
def _seg_sum(vals, idx, zeros):
    n = idx.shape[0]
    info = plsc.get_sparse_core_info()
    nc, ns = info.num_cores, info.num_subcores
    nw = nc * ns
    per_w = n // nw
    ch = 80
    n_ch = per_w // ch
    assert per_w % ch == 0 and n % nw == 0

    @functools.partial(
        pl.kernel,
        mesh=_sc_mesh(),
        compiler_params=pltpu.CompilerParams(use_tc_tiling_on_sc=False),
        out_type=jax.ShapeDtypeStruct((nc, SEGS_PAD, 16), jnp.float32),
        scratch_types=[
            pltpu.VMEM((ch,), jnp.int32),
            pltpu.VMEM((ch, 16), jnp.float32),
            pltpu.VMEM_SHARED((SEGS_PAD, 16), jnp.float32),
        ],
    )
    def k(vals_hbm, idx_hbm, zeros_hbm, out_hbm, idx_v, vals_v, acc_sh):
        cid = lax.axis_index("c")
        sid = lax.axis_index("s")
        wid = sid * nc + cid

        @pl.when(sid == 0)
        def _():
            pltpu.sync_copy(zeros_hbm, acc_sh)

        plsc.subcore_barrier()

        def body(j, carry):
            off = wid * per_w + j * ch
            pltpu.sync_copy(idx_hbm.at[pl.ds(off, ch)], idx_v)
            pltpu.sync_copy(vals_hbm.at[pl.ds(off, ch)], vals_v)
            pltpu.sync_copy(vals_v, acc_sh.at[idx_v], add=True)
            return carry

        lax.fori_loop(0, n_ch, body, 0)
        plsc.subcore_barrier()
        rows = SEGS_PAD // ns
        pltpu.sync_copy(
            acc_sh.at[pl.ds(sid * rows, rows)],
            out_hbm.at[cid, pl.ds(sid * rows, rows)],
        )

    return k(vals, idx, zeros)


@jax.jit
def _sc_gather(table, idx):
    n = idx.shape[0]
    info = plsc.get_sparse_core_info()
    nc, ns = info.num_cores, info.num_subcores
    nw = nc * ns
    per_w = n // nw
    ch = 80
    n_ch = per_w // ch
    assert per_w % ch == 0 and n % nw == 0

    @functools.partial(
        pl.kernel,
        mesh=_sc_mesh(),
        compiler_params=pltpu.CompilerParams(use_tc_tiling_on_sc=False),
        out_type=jax.ShapeDtypeStruct((n, 16), jnp.float32),
        scratch_types=[
            pltpu.VMEM((ch,), jnp.int32),
            pltpu.VMEM((ch, 16), jnp.float32),
            pltpu.SemaphoreType.DMA,
        ],
    )
    def k(table_hbm, idx_hbm, out_hbm, idx_v, rows_v, sem):
        wid = lax.axis_index("s") * nc + lax.axis_index("c")

        def body(j, carry):
            off = wid * per_w + j * ch
            pltpu.sync_copy(idx_hbm.at[pl.ds(off, ch)], idx_v)
            pltpu.async_copy(table_hbm.at[idx_v], rows_v, sem).wait()
            pltpu.sync_copy(rows_v, out_hbm.at[pl.ds(off, ch)])
            return carry

        lax.fori_loop(0, n_ch, body, 0)

    return k(table, idx)



_BR = 4096


def _dlogp(d, sigma):
    num = jnp.zeros_like(d)
    den = jnp.zeros_like(d)
    for i in range(-KWN, KWN + 1):
        s = d + SCALE_POS * i
        e = jnp.exp(-(s * s) / (2.0 * sigma * sigma))
        num = num + (-(s) / (sigma * sigma)) * e
        den = den + e
    return num / (den + 1e-30)


def _math1_body(tb, posf, evf, erf, svf, srf, cntf, vt_o, pt_o, tpt_o):
    t = TF * tb[...]
    cnt = jnp.maximum(cntf[...], 1.0)
    eps_v = evf[...] - svf[...] / cnt
    sigma_v = jnp.sqrt(1.0 - jnp.exp(-2.0 * t) + 1e-6)
    v_t = eps_v * sigma_v
    pos = SCALE_POS * (posf[...] - jnp.round(posf[...]))
    prefactor = (1.0 - jnp.exp(-t)) / (1.0 + jnp.exp(-t))
    mu_r = prefactor * v_t
    sigma_r = jnp.sqrt(2.0 * t + 8.0 / (1.0 + jnp.exp(t)) - 4.0 + 1e-6)
    eps_r = erf[...] - srf[...] / cnt
    x = mu_r + sigma_r * eps_r
    r = x - jnp.round(x)
    mu_rw = mu_r - jnp.round(mu_r)
    y = pos + r
    pos_t = y - jnp.round(y)
    tpt = prefactor * _dlogp(r - mu_rw, sigma_r)
    vt_o[...] = v_t / SCALE_POS
    pt_o[...] = pos_t / SCALE_POS
    tpt_o[...] = tpt


def _math2_body(tb, tptf, smf, cntf, snf, out_o):
    t = TF * tb[...]
    prefactor = (1.0 - jnp.exp(-t)) / (1.0 + jnp.exp(-t))
    cnt = jnp.maximum(cntf[...], 1.0)
    centered = tptf[...] - smf[...] / cnt
    out_o[...] = centered / prefactor / jnp.sqrt(snf[...])


def _flat_call(body, n_out, args):
    r = args[0].shape[0]
    grid = pl.cdiv(r, _BR)
    bs = pl.BlockSpec((_BR, 128), lambda i: (i, 0))
    return pl.pallas_call(
        body,
        grid=(grid,),
        in_specs=[bs] * len(args),
        out_specs=[bs] * n_out,
        out_shape=[jax.ShapeDtypeStruct((r, 128), jnp.float32)] * n_out,
    )(*args)




def kernel(t01, pos01, index, sigma_norms):
    n = index.shape[0]
    rkey = jax.random.key(1)
    ev = jax.random.normal(jax.random.fold_in(rkey, 1), (n, 3), jnp.float32)
    er = jax.random.normal(jax.random.fold_in(rkey, 2), (n, 3), jnp.float32)
    idx = index.astype(jnp.int32)
    zeros16 = jnp.zeros((SEGS_PAD, 16), jnp.float32)

    vals1 = jnp.concatenate(
        [ev, er, jnp.ones((n, 1), jnp.float32), jnp.zeros((n, 9), jnp.float32)], axis=1
    )
    part1 = _seg_sum(vals1, idx, zeros16)
    sums1 = part1[0] + part1[1]
    g1 = _sc_gather(sums1, idx)

    isn = jnp.round(t01[:, 0] * N_SIGMAS).astype(jnp.int32) - 1
    sn_table = jnp.broadcast_to(sigma_norms[:, None], (N_SIGMAS, 16))
    g3 = _sc_gather(sn_table, isn)

    def flat(a):
        return jnp.reshape(a, (-1, 128))

    def bcast(col):
        return flat(jnp.broadcast_to(col, (n, 3)))

    tb = bcast(t01)
    cntf = bcast(g1[:, 6:7])
    vt_f, pt_f, tpt_f = _flat_call(
        _math1_body,
        3,
        (tb, flat(pos01), flat(ev), flat(er), flat(g1[:, 0:3]), flat(g1[:, 3:6]), cntf),
    )

    tpt = jnp.reshape(tpt_f, (n, 3))
    vals2 = jnp.concatenate([tpt, jnp.zeros((n, 13), jnp.float32)], axis=1)
    part2 = _seg_sum(vals2, idx, zeros16)
    sums2 = part2[0] + part2[1]
    g2 = _sc_gather(sums2, idx)

    (target_f,) = _flat_call(
        _math2_body, 1, (tb, tpt_f, flat(g2[:, 0:3]), cntf, bcast(g3[:, 0:1]))
    )

    return (
        jnp.reshape(vt_f, (n, 3)),
        jnp.reshape(pt_f, (n, 3)),
        jnp.reshape(target_f, (n, 3)),
    )

# --- scband reference (transcript-rebuilt; emitter-appended) ---
"""Pipeline reference for scband-tdm-33629593927944 (READ-ONLY COPY).

The authoritative reference and input builder live on the scoring server;
editing this copy changes nothing except your own understanding.
"""

import math
import jax, jax.numpy as jnp
import numpy as np

SCALE_POS = 2.0 * math.pi
TF = 2.0
KWN = 13
N_SIGMAS = 2000
NUM_SEGMENTS = 100000


def wrap(x, x_range=1.0):
    return x - x_range * jnp.round(x / x_range)


def d_log_p_wrapped_normal(x, mu, sigma, N=KWN, T=SCALE_POS):
    d = x - mu
    num = jnp.zeros_like(d)
    den = jnp.zeros_like(d)
    for i in range(-N, N + 1):
        s = d + T * i
        e = jnp.exp(-(s * s) / (2.0 * sigma * sigma))
        num = num + (-(s) / (sigma * sigma)) * e
        den = den + e
    return num / (den + 1e-30)


def scatter_mean(x, index, num_segments):
    s = jax.ops.segment_sum(x, index, num_segments=num_segments)
    c = jax.ops.segment_sum(jnp.ones((x.shape[0], 1), x.dtype), index, num_segments=num_segments)
    return s / jnp.clip(c, 1.0)


def scatter_center(x, index, num_segments):
    return x - scatter_mean(x, index, num_segments)[index]


def gaussian_sample(key, index, num_segments, zero_cog=True, scale=1.0):
    eps = scale * jax.random.normal(key, (index.shape[0], 3), dtype=jnp.float32)
    if zero_cog and scale != 0.0:
        eps = scatter_center(eps, index, num_segments)
    return eps


def sigma_r_t(t):
    return jnp.sqrt(2.0 * t + 8.0 / (1.0 + jnp.exp(t)) - 4.0 + 1e-6)


def setup_inputs(seed: int = 0):
    key = jax.random.key(seed)
    k1, k2, k3, k4 = jax.random.split(key, 4)
    N = 1600000
    t01 = jax.random.uniform(k1, (N, 1), jnp.float32, minval=1e-3, maxval=1.0)
    pos01 = jax.random.uniform(k2, (N, 3), jnp.float32)
    index = jnp.sort(jax.random.randint(k3, (N,), 0, NUM_SEGMENTS))
    # buffer _sigma_norms: Monte-Carlo estimate of E[score^2] for the wrapped normal
    ts = jnp.linspace(0.0, TF, N_SIGMAS)
    sigmas = sigma_r_t(ts)
    sn = 512
    x = (sigmas[None, :] * jax.random.normal(k4, (sn, N_SIGMAS), dtype=jnp.float32)) % SCALE_POS
    score = d_log_p_wrapped_normal(x, 0.0, sigmas[None, :])
    sigma_norms = jnp.mean(score * score, axis=0)
    return {"t01": t01, "pos01": pos01, "index": index, "sigma_norms": sigma_norms}


def reference(t01, pos01, index, sigma_norms):
    t = TF * t01
    v = jnp.zeros_like(pos01)  # init_velocity_distribution has scale 0.0
    key = jax.random.key(1)
    # _sample_v_t
    eps_v = gaussian_sample(jax.random.fold_in(key, 1), index, NUM_SEGMENTS)
    sigma_v = jnp.sqrt(1.0 - jnp.exp(-2.0 * t) + 1e-6)
    v_t = jnp.exp(-t) * v + eps_v * sigma_v
    # _sample_pos_t
    pos = SCALE_POS * wrap(pos01)
    prefactor = (1.0 - jnp.exp(-t)) / (1.0 + jnp.exp(-t))
    mu_r = prefactor * (v_t + v)
    sigma_r = sigma_r_t(t)
    eps_r = gaussian_sample(jax.random.fold_in(key, 2), index, NUM_SEGMENTS)
    xr = 2.0 * math.pi / SCALE_POS
    r = wrap(mu_r + sigma_r * eps_r, xr)
    mu_rw = wrap(mu_r, xr)
    pos_t = wrap(pos + r, xr)
    target_pos_t = prefactor * d_log_p_wrapped_normal(r, mu_rw, sigma_r)
    target_pos_t = scatter_center(target_pos_t, index, NUM_SEGMENTS)
    # simplified parameterization normalization
    idx = (jnp.round(t / TF * N_SIGMAS).astype(jnp.int32) - 1)  # [N,1]
    sn_t = jnp.sqrt(sigma_norms[idx])  # [N,1]
    target = target_pos_t / prefactor / sn_t
    return (v_t / SCALE_POS, pos_t / SCALE_POS, target)

if __name__ == "__main__":
    import jax
    _d = setup_inputs()
    print(jax.jit(kernel)(*tuple(_d.values())))

</pallas_src>

<mosaic_0001>
#map = affine_map<(d0, d1) -> (0, 0)>
#map1 = affine_map<(d0, d1) -> (0)>
#map2 = affine_map<(d0, d1) -> (0, 0, 0)>
module attributes {stable_mosaic.version = 14 : i64} {
  func.func @k(%arg0: i32, %arg1: i32, %arg2: memref<1600000x16xf32, #tpu.memory_space<hbm>>, %arg3: memref<1600000xi32, #tpu.memory_space<hbm>>, %arg4: memref<100096x16xf32, #tpu.memory_space<hbm>>, %arg5: memref<2x100096x16xf32, #tpu.memory_space<hbm>>, %arg6: memref<80xi32, #tpu.memory_space<vmem>>, %arg7: memref<80x16xf32, #tpu.memory_space<vmem>>, %arg8: memref<100096x16xf32, #tpu.memory_space<vmem_shared>>) attributes {dimension_semantics = [#tpu.dimension_semantics<core_parallel>, #tpu.dimension_semantics<subcore_parallel>], iteration_bounds = array<i64: 2, 16>, scalar_prefetch = 0 : i64, scratch_operands = 3 : i64, tpu.core_type = #tpu.core_type<sc_vector_subcore>, window_params = [{transform_indices = #map}, {transform_indices = #map1}, {transform_indices = #map}, {transform_indices = #map2}]} {
    %mul3A = arith.constant 2 : i32
    %mul3A_0 = arith.muli %arg1, %mul3A : i32
    %add3A = arith.addi %mul3A_0, %arg0 : i32
    %eq3A = arith.constant 0 : i32
    %eq3A_1 = arith.cmpi eq, %arg1, %eq3A : i32
    %convert_element_type3A = arith.extui %eq3A_1 : i1 to i32
    %cond3A = arith.constant 0 : i32
    %cond3A_2 = arith.cmpi ne, %convert_element_type3A, %cond3A : i32
    scf.if %cond3A_2 {
      "tpu.region"() ({
        %run_scoped3A = tpu.sem_alloc : memref<!tpu.dma_semaphore, #tpu.memory_space<semaphore_mem>>
        tpu.enqueue_dma source(%arg4 : memref<100096x16xf32, #tpu.memory_space<hbm>>) target(%arg8 : memref<100096x16xf32, #tpu.memory_space<vmem_shared>>) target_semaphore(%run_scoped3A : memref<!tpu.dma_semaphore, #tpu.memory_space<semaphore_mem>>)
        tpu.wait_dma2 semaphore(%run_scoped3A : memref<!tpu.dma_semaphore, #tpu.memory_space<semaphore_mem>>) src(%arg4 : memref<100096x16xf32, #tpu.memory_space<hbm>>) dst(%arg8 : memref<100096x16xf32, #tpu.memory_space<vmem_shared>>)
        tpu.yield
      }) : () -> ()
    } else {
    }
    %barrier3A = arith.constant 0 : index
    tpu.barrier barrier_id(%barrier3A)
    %scan3A = arith.constant 0 : i32
    %scan3A_3 = arith.constant 0 : i32
    %scan3A_4 = arith.constant 625 : i32
    %scan3A_5 = arith.addi %scan3A_3, %scan3A_4 : i32
    %scan3A_6 = arith.constant 1 : i32
    scf.for %scan3A_13 = %scan3A_3 to %scan3A_5 step %scan3A_6  : i32 {
      %mul3A_14 = arith.constant 50000 : i32
      %mul3A_15 = arith.muli %add3A, %mul3A_14 : i32
      %mul3A_16 = arith.constant 80 : i32
      %mul3A_17 = arith.muli %scan3A_13, %mul3A_16 : i32
      %add3A_18 = arith.addi %mul3A_15, %mul3A_17 : i32
      "tpu.region"() ({
        %run_scoped3A = tpu.sem_alloc : memref<!tpu.dma_semaphore, #tpu.memory_space<semaphore_mem>>
        %dma_start3A = tpu.memref_slice %arg3[%add3A_18] : memref<1600000xi32, #tpu.memory_space<hbm>> -> memref<80xi32, #tpu.memory_space<hbm>>
        %dma_start3A_19 = tpu.memref_slice %arg3[%add3A_18] : memref<1600000xi32, #tpu.memory_space<hbm>> -> memref<80xi32, #tpu.memory_space<hbm>>
        tpu.enqueue_dma source(%dma_start3A_19 : memref<80xi32, #tpu.memory_space<hbm>>) target(%arg6 : memref<80xi32, #tpu.memory_space<vmem>>) target_semaphore(%run_scoped3A : memref<!tpu.dma_semaphore, #tpu.memory_space<semaphore_mem>>)
        %dma_wait3A = tpu.memref_slice %arg3[%add3A_18] : memref<1600000xi32, #tpu.memory_space<hbm>> -> memref<80xi32, #tpu.memory_space<hbm>>
        %dma_wait3A_20 = tpu.memref_slice %arg3[%add3A_18] : memref<1600000xi32, #tpu.memory_space<hbm>> -> memref<80xi32, #tpu.memory_space<hbm>>
        tpu.wait_dma2 semaphore(%run_scoped3A : memref<!tpu.dma_semaphore, #tpu.memory_space<semaphore_mem>>) src(%dma_wait3A_20 : memref<80xi32, #tpu.memory_space<hbm>>) dst(%arg6 : memref<80xi32, #tpu.memory_space<vmem>>)
        tpu.yield
      }) : () -> ()
      "tpu.region"() ({
        %run_scoped3A = tpu.sem_alloc : memref<!tpu.dma_semaphore, #tpu.memory_space<semaphore_mem>>
        %dma_start3A = arith.constant 0 : i32
        %dma_start3A_19 = tpu.memref_slice %arg2[%add3A_18, %dma_start3A] : memref<1600000x16xf32, #tpu.memory_space<hbm>> -> memref<80x16xf32, #tpu.memory_space<hbm>>
        %dma_start3A_20 = arith.constant 0 : i32
        %dma_start3A_21 = tpu.memref_slice %arg2[%add3A_18, %dma_start3A_20] : memref<1600000x16xf32, #tpu.memory_space<hbm>> -> memref<80x16xf32, #tpu.memory_space<hbm>>
        tpu.enqueue_dma source(%dma_start3A_21 : memref<80x16xf32, #tpu.memory_space<hbm>>) target(%arg7 : memref<80x16xf32, #tpu.memory_space<vmem>>) target_semaphore(%run_scoped3A : memref<!tpu.dma_semaphore, #tpu.memory_space<semaphore_mem>>)
        %dma_wait3A = arith.constant 0 : i32
        %dma_wait3A_22 = tpu.memref_slice %arg2[%add3A_18, %dma_wait3A] : memref<1600000x16xf32, #tpu.memory_space<hbm>> -> memref<80x16xf32, #tpu.memory_space<hbm>>
        %dma_wait3A_23 = arith.constant 0 : i32
        %dma_wait3A_24 = tpu.memref_slice %arg2[%add3A_18, %dma_wait3A_23] : memref<1600000x16xf32, #tpu.memory_space<hbm>> -> memref<80x16xf32, #tpu.memory_space<hbm>>
        tpu.wait_dma2 semaphore(%run_scoped3A : memref<!tpu.dma_semaphore, #tpu.memory_space<semaphore_mem>>) src(%dma_wait3A_24 : memref<80x16xf32, #tpu.memory_space<hbm>>) dst(%arg7 : memref<80x16xf32, #tpu.memory_space<vmem>>)
        tpu.yield
      }) : () -> ()
      "tpu.region"() ({
        %run_scoped3A = tpu.sem_alloc : memref<!tpu.dma_semaphore, #tpu.memory_space<semaphore_mem>>
        %dma_start3A = arith.constant 0 : i32
        %dma_start3A_19 = arith.constant 0 : i32
        %dma_start3A_20 = tpu.memref_slice %arg8[%dma_start3A, %dma_start3A_19] : memref<100096x16xf32, #tpu.memory_space<vmem_shared>> -> memref<100096x16xf32, #tpu.memory_space<vmem_shared>>
        tpu.enqueue_indirect_dma source(%arg7 : memref<80x16xf32, #tpu.memory_space<vmem>>) target(%dma_start3A_20 : memref<100096x16xf32, #tpu.memory_space<vmem_shared>>) offsets(%arg6 : memref<80xi32, #tpu.memory_space<vmem>>) semaphore(%run_scoped3A : memref<!tpu.dma_semaphore, #tpu.memory_space<semaphore_mem>>) {add = true}
        %dma_wait3A = arith.constant 0 : i32
        %dma_wait3A_21 = arith.constant 0 : i32
        %dma_wait3A_22 = tpu.memref_slice %arg8[%dma_wait3A, %dma_wait3A_21] : memref<100096x16xf32, #tpu.memory_space<vmem_shared>> -> memref<100096x16xf32, #tpu.memory_space<vmem_shared>>
        tpu.wait_indirect_dma semaphore(%run_scoped3A : memref<!tpu.dma_semaphore, #tpu.memory_space<semaphore_mem>>) src(%arg7 : memref<80x16xf32, #tpu.memory_space<vmem>>) dst(%dma_wait3A_22 : memref<100096x16xf32, #tpu.memory_space<vmem_shared>>)
        tpu.yield
      }) : () -> ()
    }
    %scan3A_7 = arith.constant 625 : i32
    %barrier3A_8 = arith.constant 0 : index
    tpu.barrier barrier_id(%barrier3A_8)
    %mul3A_9 = arith.constant 6256 : i32
    %mul3A_10 = arith.muli %arg1, %mul3A_9 : i32
    %mul3A_11 = arith.constant 6256 : i32
    %mul3A_12 = arith.muli %arg1, %mul3A_11 : i32
    "tpu.region"() ({
      %run_scoped3A = tpu.sem_alloc : memref<!tpu.dma_semaphore, #tpu.memory_space<semaphore_mem>>
      %dma_start3A = arith.constant 0 : i32
      %dma_start3A_13 = tpu.memref_slice %arg5[%arg0, %mul3A_12, %dma_start3A] : memref<2x100096x16xf32, #tpu.memory_space<hbm>> -> memref<1x6256x16xf32, #tpu.memory_space<hbm>>
      %dma_start3A_14 = tpu.memref_squeeze %dma_start3A_13 : memref<1x6256x16xf32, #tpu.memory_space<hbm>> -> memref<6256x16xf32, #tpu.memory_space<hbm>>
      %dma_start3A_15 = arith.constant 0 : i32
      %dma_start3A_16 = tpu.memref_slice %arg8[%mul3A_10, %dma_start3A_15] : memref<100096x16xf32, #tpu.memory_space<vmem_shared>> -> memref<6256x16xf32, #tpu.memory_space<vmem_shared>>
      tpu.enqueue_dma source(%dma_start3A_16 : memref<6256x16xf32, #tpu.memory_space<vmem_shared>>) target(%dma_start3A_14 : memref<6256x16xf32, #tpu.memory_space<hbm>>) target_semaphore(%run_scoped3A : memref<!tpu.dma_semaphore, #tpu.memory_space<semaphore_mem>>)
      %dma_wait3A = arith.constant 0 : i32
      %dma_wait3A_17 = tpu.memref_slice %arg5[%arg0, %mul3A_12, %dma_wait3A] : memref<2x100096x16xf32, #tpu.memory_space<hbm>> -> memref<1x6256x16xf32, #tpu.memory_space<hbm>>
      %dma_wait3A_18 = tpu.memref_squeeze %dma_wait3A_17 : memref<1x6256x16xf32, #tpu.memory_space<hbm>> -> memref<6256x16xf32, #tpu.memory_space<hbm>>
      %dma_wait3A_19 = arith.constant 0 : i32
      %dma_wait3A_20 = tpu.memref_slice %arg8[%mul3A_10, %dma_wait3A_19] : memref<100096x16xf32, #tpu.memory_space<vmem_shared>> -> memref<6256x16xf32, #tpu.memory_space<vmem_shared>>
      tpu.wait_dma2 semaphore(%run_scoped3A : memref<!tpu.dma_semaphore, #tpu.memory_space<semaphore_mem>>) src(%dma_wait3A_20 : memref<6256x16xf32, #tpu.memory_space<vmem_shared>>) dst(%dma_wait3A_18 : memref<6256x16xf32, #tpu.memory_space<hbm>>)
      tpu.yield
    }) : () -> ()
    return
  }
}

</mosaic_0001>

<sc_bundles>
// kernel: _seg_sum.3.cloned.1.call-start
scs
__scs_entry_jumppad:
0x0: {  	(pc) =	sbr.rel $0x88, $3  }
0x1: {  	(tag) =	ssettag $0x0;
	lr =	simm.s32 $0x1  }
0x2: {  	[smem:$0x3F9E] =	sst lr;
	_ =	strace $0xD0000000  }
0x3: {  	_ = 	snop  }
0x4: {  	_ = 	snop  }
0x5: {  	_ = 	snop  }
0x6: {  	_ = 	snop  }
0x7: {  	_ = 	snop  }
__scs_overlays_trampoline_lowered:
0x8: {  	[smem:$0x3FAD] =	sst s0  }
0x9: {  	[smem:$0x3FAE] =	sst s1  }
0xa: {  	[smem:$0x3FAF] =	sst s2  }
0xb: {  	[smem:$0x3FB0] =	sst s3  }
0xc: {  	[smem:$0x3FB1] =	sst s4  }
0xd: {  	[smem:$0x3FB2] =	sst s5  }
0xe: {  	[smem:$0x3FB3] =	sst s6  }
0xf: {  	[smem:$0x3FB4] =	sst s7  }
0x10: {  	[smem:$0x3FB5] =	sst s8  }
0x11: {  	[smem:$0x3FB6] =	sst s9;
	s0 =	simm.s32 @!p0 $0x0  }
0x12: {  	s1 =	sld [smem:$0x3F9C];
	s0 =	simm.s32 @p0 $0x1  }
0x13: {  	[smem:$0x3FB7] =	sst s0;
	s0 =	simm.s32 @!p1 $0x0  }
0x14: {  	s2 =	sld [smem:$0x3F9B];
	s0 =	simm.s32 @p1 $0x1  }
0x15: {  	[smem:$0x3FB8] =	sst s0;
	s0 =	simm.s32 @!p2 $0x0  }
0x16: {  	s3 =	sld [smem:$0x3FDB];
	s0 =	simm.s32 @p2 $0x1  }
0x17: {  	s4 =	simm.s32 $0x1BF5;
	[smem:$0x3FBA] =	sst s0  }
0x18: {  	s0 =	sld [smem:$0x3F9D];
	_ =	swait.ge [sflag:s4], $0x0  }
0x19: {  	s7 =	sld [smem:$0x3F9E]  }
0x1a: {  	s8 =	sadd.s32 $0xFFFFE003, lr  }
0x1b: {  	s9 =	sadd.s32 $0xFFFFFEF7, lr;
	s5 =	simm.s32 $0xFFFFFFFF;
	p2 =	slt.u32 s8, $0xFFFFF086  }
0x1c: {  	p1 =	slt.u32 s9, $0xF7A;
	s5 =	simm.s32 @!p2 $0x0  }
0x1d: {  	s5 =	simm.s32 @p1 $0x1;
	p0 =	seq.s32 s7, s2  }
0x1e: {  	s7 =	smul.u32 @!p0 $0xF7A, s2;
	p2 =	seq.s32 @!p0 s5, $0x0  }
0x1f: {  	s9 =	smul.u32 $0xF7A, s1;
	s8 =	simm.s32 @!p0 $0x1BF5;
	p2 =	por !p2, p0  }
0x20: {  	[sflag:s8] =	ssyncset.s32 @!p0 $0xFFFFF086;
	s6 =	sadd.s32 @!p0 s3, s7;
	s7 =	simm.s32 @!p0 $0x108  }
0x21: {  	s3 =	sadd.s32 s3, s9;
	s6 =	sadd.s32 @!p0 $0x88, s6;
	s7 =	simm.s32 @p2 $0x1082  }
0x22: {  	[simem:s7], [sflag:s8] =	dma.local @!p0 [hbm:s6], $0xF7A  }
0x23: {  	s9 =	sor.u32 $0xD0000000, s2;
	s6 =	simm.s32 $0x108;
	_ =	swait.ge @!p0 [sflag:s8], $0x0  }
0x24: {  	s3 =	sadd.s32 $0x88, s3;
	s6 =	simm.s32 @!p1 $0x1082;
	[sflag:s4] =	ssyncset.s32 $0xFFFFF086  }
0x25: {  	[simem:s6], [sflag:s4] =	dma.local [hbm:s3], $0xF7A  }
0x26: {  	[smem:$0x3F9E] =	sst s1;
	(tag) =	ssettag s2;
	_ =	strace s9  }
0x27: {  	s1 =	sld [smem:$0x3FAE]  }
0x28: {  	s2 =	sld [smem:$0x3FAF]  }
0x29: {  	s4 =	sld [smem:$0x3FB1]  }
0x2a: {  	p0 =	seq.s32 s5, $0x0;
	s5 =	sld [smem:$0x3FB2]  }
0x2b: {  	s6 =	sld [smem:$0x3FB3]  }
0x2c: {  	s7 =	sld [smem:$0x3FB4]  }
0x2d: {  	s3 =	simm.s32 $0x108;
	s8 =	sld [smem:$0x3FB5]  }
0x2e: {  	s3 =	simm.s32 @!p0 $0x1082;
	s9 =	sld [smem:$0x3FB6]  }
0x2f: {  	lr =	sadd.s32 s0, s3;
	s0 =	sld [smem:$0x3FAD]  }
0x30: {  	s3 =	sld [smem:$0x3FB0]  }
0x31: {  	[smem:$0x3FB9] =	sst s10  }
0x32: {  	s10 =	sld [smem:$0x3FB7];
	_ =	sdelay $0x3  }
0x33: {  	p0 =	seq.s32 s10, $0x1;
	s10 =	sld [smem:$0x3FB9];
	_ =	sdelay $0x3  }
0x34: {  	[smem:$0x3FB9] =	sst s10  }
0x35: {  	s10 =	sld [smem:$0x3FB8];
	_ =	sdelay $0x3  }
0x36: {  	p1 =	seq.s32 s10, $0x1;
	s10 =	sld [smem:$0x3FB9];
	_ =	sdelay $0x3  }
0x37: {  	[smem:$0x3FB9] =	sst s10  }
0x38: {  	s10 =	sld [smem:$0x3FBA]  }
0x39: {  	_ = 	snop;
	(pc) =	sbr.ind lr, $3  }
0x3a: {  	_ = 	snop  }
0x3b: {  	_ = 	snop  }
0x3c: {  	p2 =	seq.s32 s10, $0x1;
	s10 =	sld [smem:$0x3FB9]  }
0x3d: {  	_ =	shalt  }
0x3e: {  	_ =	shalt  }
0x3f: {  	_ =	shalt  }
0x40: {  	_ =	shalt  }
0x41: {  	_ =	shalt  }
0x42: {  	_ =	shalt  }
0x43: {  	_ =	shalt  }
0x44: {  	_ =	shalt  }
0x45: {  	_ =	shalt  }
0x46: {  	_ =	shalt  }
0x47: {  	_ =	shalt  }
0x48: {  	_ =	shalt  }
0x49: {  	_ =	shalt  }
0x4a: {  	_ =	shalt  }
0x4b: {  	_ =	shalt  }
0x4c: {  	_ =	shalt  }
0x4d: {  	_ =	shalt  }
0x4e: {  	_ =	shalt  }
0x4f: {  	_ =	shalt  }
0x50: {  	_ =	shalt  }
0x51: {  	_ =	shalt  }
0x52: {  	_ =	shalt  }
0x53: {  	_ =	shalt  }
0x54: {  	_ =	shalt  }
0x55: {  	_ =	shalt  }
0x56: {  	_ =	shalt  }
0x57: {  	_ =	shalt  }
0x58: {  	_ =	shalt  }
0x59: {  	_ =	shalt  }
0x5a: {  	_ =	shalt  }
0x5b: {  	_ =	shalt  }
0x5c: {  	_ =	shalt  }
0x5d: {  	_ =	shalt  }
0x5e: {  	_ =	shalt  }
0x5f: {  	_ =	shalt  }
0x60: {  	_ =	shalt  }
0x61: {  	_ =	shalt  }
0x62: {  	_ =	shalt  }
0x63: {  	_ =	shalt  }
0x64: {  	_ =	shalt  }
0x65: {  	_ =	shalt  }
0x66: {  	_ =	shalt  }
0x67: {  	_ =	shalt  }
0x68: {  	_ =	shalt  }
0x69: {  	_ =	shalt  }
0x6a: {  	_ =	shalt  }
0x6b: {  	_ =	shalt  }
0x6c: {  	_ =	shalt  }
0x6d: {  	_ =	shalt  }
0x6e: {  	_ =	shalt  }
0x6f: {  	_ =	shalt  }
0x70: {  	_ =	shalt  }
0x71: {  	_ =	shalt  }
0x72: {  	_ =	shalt  }
0x73: {  	_ =	shalt  }
0x74: {  	_ =	shalt  }
0x75: {  	_ =	shalt  }
0x76: {  	_ =	shalt  }
0x77: {  	_ =	shalt  }
0x78: {  	_ =	shalt  }
0x79: {  	_ =	shalt  }
0x7a: {  	_ =	shalt  }
0x7b: {  	_ =	shalt  }
0x7c: {  	_ =	shalt  }
0x7d: {  	_ =	shalt  }
0x7e: {  	_ =	shalt  }
0x7f: {  	_ =	shalt  }
0x80: {  	_ =	shalt  }
0x81: {  	_ =	shalt  }
0x82: {  	_ =	shalt  }
0x83: {  	_ =	shalt  }
0x84: {  	_ =	shalt  }
0x85: {  	_ =	shalt  }
0x86: {  	_ =	shalt  }
0x87: {  	_ =	shalt  }
.Lfunc_end0:
.L_simem_size_0:
called_computation_lowered:
.L_overlay_start_0:
0x88: {  	s2 =	sld [smem:$0x3FD9]  }
0x89: {  	s3 =	sld [smem:$0x3FFE];
	_ =	sdelay $0x1  }
0x8a: {  	s1 =	srdreg.scid  }
0x8b: {  	s0 =	sand.u32 $0x1, s1  }
0x8c: {  	s17 =	sshll.u32 s0, $0xA;
	s2 =	sadd.s32 s3, s2  }
0x8d: {  	s2 =	sadd.s32 s2, s17  }
0x8e: {  	[smem:$0x3FC5] =	sst s2  }
0x8f: {  	_ = 	snop  }
0x90: {  	s2 =	sld [smem:$0x3FC8]  }
0x91: {  	s18 =	sld [smem:$0x3FD0];
	(tm) =	ssettm $0x1  }
0x92: {  	s4 =	sld [smem:$0x3FFB];
	_ =	sdelay $0x3  }
0x93: {  	_ =	strace s4  }
0x94: {  	s4 =	sld [smem:$0x3FFC];
	_ =	sdelay $0x3  }
0x95: {  	_ =	strace s4  }
0x96: {  	s4 =	sld [smem:$0x3FFD];
	_ =	sdelay $0x3  }
0x97: {  	_ =	strace s4  }
0x98: {  	_ =	strace $0x8FFFFFFF  }
0x99: {  	s19 =	sld [smem:$0x3FDB];
	_ =	sdelay $0x1  }
0x9a: {  	s5 =	simm.s32 $_scs_section_size  }
0x9b: {  	s6 =	simm.s32 $_size__tile_overlayer_lowered;
	s7 =	simm.s32 $_tile_overlayer_lowered  }
0x9c: {  	s22 =	simm.s32 $0x1BFF;
	s21 =	sshll.u32 s7, $0x1;
	s4 =	sadd.s32 s5, s19  }
0x9d: {  	s8 =	simm.s32 $0x0;
	s20 =	sshll.u32 s6, $0x1;
	s6 =	sadd.s32 s21, s4  }
0x9e: {  	[timem:s8], [sflag:s22] =	dma.local [hbm:s6], s20  }
0x9f: {  	_ =	swait.ge [sflag:s22], s20  }
0xa0: {  	s5 =	ssub.s32 $0x0, s20;
	[sflag:s22] =	ssyncset.done $0x0  }
0xa1: {  	[sflag:s22] =	ssyncadd.s32 s5;
	_ =	sdelay $0x1  }
0xa2: {  	s23 =	simm.s32 $0x1B8B  }
0xa3: {  	_ =	swait.ge [sflag:s23], $0x1  }
0xa4: {  	[sflag:s23] =	ssyncset.done $0x0  }
0xa5: {  	s25 =	simm.s32 $0x1B8E;
	s24 =	sld [smem:$0x3FFE];
	[sflag:s23] =	ssyncadd.s32 $0xFFFFFFFF  }
0xa6: {  	s26 =	simm.s32 $execute0_lowered;
	[smem:$0x3FD2] =	sst s25  }
0xa7: {  	s6 =	sshll.u32 s26, $0x1;
	_ =	strace $0x80000046;
	[dreg:$0x1] =	wrdreg $0xFFFFFFFF  }
0xa8: {  	s28 =	simm.s32 $_size_execute0_lowered;
	s4 =	sadd.s32 s4, s6;
	[dreg:$0x0] =	wrdreg $0x0  }
0xa9: {  	s6 =	sshll.u32 s28, $0x1;
	[dreg:$0x2] =	wrdreg s4  }
0xaa: {  	[dreg:$0x3] =	wrdreg s6  }
0xab: {  	[dreg:$0x4] =	wrdreg $0xC0  }
0xac: {  	_ =	task [dreg:s8], $0x5FFFF  }
0xad: {  	[dreg:$0x1] =	wrdreg $0xFFFFFFFF  }
0xae: {  	[dreg:$0x0] =	wrdreg $0x60  }
0xaf: {  	[dreg:$0x2] =	wrdreg s24  }
0xb0: {  	[dreg:$0x3] =	wrdreg s2  }
0xb1: {  	[dreg:$0x4] =	wrdreg s18  }
0xb2: {  	[dreg:$0x5] =	wrdreg $0x5500  }
0xb3: {  	[dreg:$0x6] =	wrdreg $0x9  }
0xb4: {  	_ =	task.clear_ibuf [dreg:s8], $0x7FFFF;
	_ =	strace $0x90000046  }
0xb5: {  	s29 =	simm.s32 $0x9;
	_ =	strace $0x80000048  }
0xb6: {  	_ =	swait.ge [sflag:s29], $0x1  }
0xb7: {  	[sflag:s29] =	ssyncadd.s32 $0xFFFFFFFF  }
0xb8: {  	_ =	strace $0x90000048  }
0xb9: {  	_ =	sfence  }
0xba: {  	s30 =	sld [smem:$0x0];
	_ =	sdelay $0x2  }
0xbb: {  	s31 =	sshll.u32 s1, $0xD;
	s1 =	sshrl.u32 s1, $0x2  }
0xbc: {  	s3 =	sand.u32 $0x4000, s31;
	s1 =	sadd.s32 s1, s30  }
0xbd: {  	s0 =	sor.u32 s3, s0;
	s1 =	sshll.u32 s1, $0x11  }
0xbe: {  	s0 =	sor.u32 s1, s0  }
0xbf: {  	s0 =	sadd.s32 $0x8F2B, s0  }
0xc0: {  	[sflag:s0] =	ssyncadd.remote.s32 $0x1  }
0xc1: {  	_ =	sfence.sel $0xFFFF  }
0xc2: {  	[dreg:$0x0] =	wrdreg $0xFFFFFFFF;
	(pc) =	sbr.abs _section_cstart, $3  }
0xc3: {  	[dreg:$0x1] =	wrdreg $0xFFFFFFFF  }
0xc4: {  	_ =	task.clear_ibuf [dreg:s8], $0x2FFFF;
	_ =	strace $0x9FFFFFFF  }
0xc5: {  	(tm) =	ssettm $0x7FFFFFFF  }
tec
execute0_lowered:
.L_overlay_start_1:
0x0: {  	(tag) =	ssettag $0x1  }
0x1: {  	s3 =	rddreg [dreg:$0x0]  }
0x2: {  	s7 =	rddreg [dreg:$0x1]  }
0x3: {  	s4 =	rddreg [dreg:$0x2]  }
0x4: {  	s11 =	stileid.u32;
	s0 =	srdreg.scid  }
0x5: {  	s1 =	rddreg [dreg:$0x3];
	s2 =	simm.s32 $0x0;
	s5 =	smul.u32 $0x30D40, s11  }
0x6: {  	s6 =	sand.u32 $0x1, s0;
	s0 =	rddreg [dreg:$0x4];
	s9 =	smul.u32 $0x18700, s11  }
0x7: {  	[smem:$0x7FF] =	sst s2;
	s13 =	smul.u32 $0x186A0, s11  }
0x8: {  	p0 =	sne.s32 s11, $0x0;
	s11 =	sshll.u32 s11, $0x6;
	s8 =	smul.u32 $0x187000, s6  }
0x9: {  	_ =	strace $0x80000047;
	s29 =	ssub.s32 $0x2, s6;
	s30 =	smul.u32 $0xC350, s6  }
0xa: {  	s6 =	smul.u32 $0x186A0, s6;
	s11 =	sor.u32 $0x1C01, s11;
	s10 =	sadd.s32 s5, s3  }
0xb: {  	s12 =	sshrl.u32 s29, $0x1;
	s3 =	sadd.s32 $0x187600, s3;
	s14 =	sadd.s32 s9, s1  }
0xc: {  	s8 =	sadd.s32 s9, s8;
	s5 =	ssub.s32 s29, s12;
	s31 =	sadd.s32 s30, s13  }
0xd: {  	s6 =	sadd.s32 s6, s10;
	s9 =	simm.s32 $0x1;
	s10 =	simm.s32 $0x50  }
0xe: {  	s12 =	sshrl.u32 s14, $0x3;
	s13 =	simm.s32 $0x0;
	s8 =	sshrl.u32 s8, $0x3  }
0xf: {  	s5 =	smax.u32 s5, $0x1;
	s4 =	sadd.s32 s4, s8;
	s8 =	sshrl.u32 s31, $0x3  }
0x10: {  	s6 =	sadd.s32 $0x186A600, s6;
	s7 =	sadd.s32 s8, s7;
	s8 =	sshrl.u32 @!p0 s1, $0x3  }
.LBB2_1:
0x11: {  	s14 =	simm.s32 @!p0 $0x1C01  }
0x12: {  	[spmem:s8], [sflag:s14] =	dma.local @!p0 [hbm:s3], $0x30E00  }
0x13: {  	s14 =	simm.s32 @!p0 $0x1  }
0x14: {  	_ =	swait.ge @!p0 [sflag:s14], $0x30E00  }
0x15: {  	[sflag:s14] =	ssyncset.done @!p0 $0x0  }
0x16: {  	[sflag:s14] =	ssyncadd.s32 @!p0 $0xFFFCF200  }
0x17: {  	s31 =	sadd.s32 $0x0, s7;
	[bflag:$0x0] =	sbarrier.arrive $0xFFFF  }
0x18: {  	[tilespmem:s2], [sflag:$0x1] =	stream.linear.gather [hbm4b:s31+s2], $0x50, $0x38;
	[tilespmem:$0x18C50] =	vst v63  }
0x19: {  	_ =	swait.ge [sflag:s9], $0x50  }
0x1a: {  	[sflag:s9] =	ssyncset.done $0x0  }
0x1b: {  	[sflag:s9] =	ssyncadd.s32 $0xFFFFFFB0  }
0x1c: {  	[tilespmem:s10], [sflag:$0x1] =	stream.linear.gather [hbm4b:s6+s2], $0x500, $0x38;
	[tilespmem:$0x18C50] =	vst v63  }
0x1d: {  	_ =	swait.ge [sflag:s9], $0x500  }
0x1e: {  	[sflag:s9] =	ssyncset.done $0x0  }
0x1f: {  	[sflag:s9] =	ssyncadd.s32 $0xFFFFFB00  }
0x20: {  	[spmem:s1] =	stream.indirect.scatter.add.f32 [tilespmem:s10], [sflag:$0x1], $0x10, s2, s10, $0xb8;
	[tilespmem:$0x18C50] =	vst v63  }
0x21: {  	s15 =	simm.s32 $0xA;
	_ =	swait.ge [sflag:s9], $0x500  }
0x22: {  	s16 =	simm.s32 $0x14;
	s14 =	sadd.s32 $0xA0, s6;
	[sflag:s9] =	ssyncset.done $0x0  }
.LBB2_2:
0x23: {  	s17 =	sadd.s32 s15, s7  }
0x24: {  	[sflag:s9] =	ssyncadd.s32 $0xFFFFFB00;
	s15 =	smov.u32 s16;
	s18 =	sadd.s32 $0xA, s16  }
0x25: {  	[tilespmem:s2], [sflag:$0x1] =	stream.linear.gather [hbm4b:s17+s2], $0x50, $0x38;
	[tilespmem:$0x18C50] =	vst v63  }
0x26: {  	p1 =	sne.s32 s16, $0x1860;
	_ =	swait.ge [sflag:s9], $0x50  }
0x27: {  	[sflag:s9] =	ssyncset.done $0x0  }
0x28: {  	[sflag:s9] =	ssyncadd.s32 $0xFFFFFFB0  }
0x29: {  	[tilespmem:s10], [sflag:$0x1] =	stream.linear.gather [hbm4b:s14+s2], $0x500, $0x38;
	[tilespmem:$0x18C50] =	vst v63  }
0x2a: {  	_ =	swait.ge [sflag:s9], $0x500  }
.Ltmp0:
0x2b: {  	[sflag:s9] =	ssyncset.done $0x0;
	(pc) =	sbr.rel @p1 .LBB2_2-.Ltmp0, $4  }
0x2c: {  	[sflag:s9] =	ssyncadd.s32 $0xFFFFFB00  }
0x2d: {  	[spmem:s1] =	stream.indirect.scatter.add.f32 [tilespmem:s10], [sflag:$0x1], $0x10, s2, s10, $0xb8;
	[tilespmem:$0x18C50] =	vst v63  }
0x2e: {  	_ =	swait.ge [sflag:s9], $0x500  }
0x2f: {  	s16 =	smov.u32 s18;
	s14 =	sadd.s32 $0xA0, s14;
	[sflag:s9] =	ssyncset.done $0x0  }
0x30: {  	s15 =	sadd.s32 s15, s7;
	[sflag:s9] =	ssyncadd.s32 $0xFFFFFB00  }
0x31: {  	[tilespmem:s2], [sflag:$0x1] =	stream.linear.gather [hbm4b:s15+s2], $0x50, $0x38;
	[tilespmem:$0x18C50] =	vst v63  }
0x32: {  	_ =	swait.ge [sflag:s9], $0x50  }
0x33: {  	[sflag:s9] =	ssyncset.done $0x0  }
0x34: {  	[sflag:s9] =	ssyncadd.s32 $0xFFFFFFB0  }
0x35: {  	[tilespmem:s10], [sflag:$0x1] =	stream.linear.gather [hbm4b:s14+s2], $0x500, $0x38;
	[tilespmem:$0x18C50] =	vst v63  }
0x36: {  	_ =	swait.ge [sflag:s9], $0x500  }
0x37: {  	[sflag:s9] =	ssyncset.done $0x0  }
0x38: {  	[sflag:s9] =	ssyncadd.s32 $0xFFFFFB00  }
0x39: {  	[spmem:s1] =	stream.indirect.scatter.add.f32 [tilespmem:s10], [sflag:$0x1], $0x10, s2, s10, $0xb8;
	[tilespmem:$0x18C50] =	vst v63  }
0x3a: {  	_ =	swait.ge [sflag:s9], $0x500  }
0x3b: {  	s13 =	sadd.s32 $0x1, s13;
	[sflag:s9] =	ssyncset.done $0x0  }
0x3c: {  	p1 =	sne.s32 s13, s5;
	[sflag:s9] =	ssyncadd.s32 $0xFFFFFB00  }
.Ltmp1:
0x3d: {  	[bflag:$0x0] =	sbarrier.arrive $0xFFFF;
	(pc) =	sbr.rel @p1 .LBB2_1-.Ltmp1, $4  }
0x3e: {  	[hbm:s4], [sflag:s11] =	dma.local [spmem:s12], $0x30E0  }
0x3f: {  	_ =	swait.ge [sflag:s9], $0x30E0  }
0x40: {  	[sflag:s9] =	ssyncset.done $0x0  }
0x41: {  	[sflag:s9] =	ssyncadd.s32 $0xFFFFCF20  }
0x42: {  	_ =	sfence.sel $0x180000  }
0x43: {  	[bflag:$0x0] =	sbarrier.arrive $0xFFFF  }
0x44: {  	_ =	strace $0x90000047  }
0x45: {  	s0 =	sadd.s32 @!p0 $0x100000, s0;
	[bflag:$0x2] =	sbarrier.arrive $0xFFFF  }
0x46: {  	[sflag:s0] =	ssyncadd.tile.s32 @!p0 $0x1;
	_ =	shalt  }
.Lfunc_end2:
_tile_overlayer_lowered:
.L_overlay_start_2:
0x47: {  	(tag) =	ssettag $0x2  }
0x48: {  	s0 =	rddreg [dreg:$0x0];
	s2 =	stileid.u32  }
0x49: {  	s1 =	rddreg [dreg:$0x1];
	p0 =	sne.s32 s2, $0x0  }
0x4a: {  	s3 =	rddreg [dreg:$0x2];
	[bflag:$0x3] =	sbarrier.arrive $0xFFFF;
	s2 =	simm.s32 @!p0 $0x1C01  }
0x4b: {  	[timem:s3], [sflag:s2] =	dma.local @!p0 [hbm:s0], s1  }
0x4c: {  	s0 =	simm.s32 @!p0 $0x1  }
0x4d: {  	_ =	swait.ge @!p0 [sflag:s0], s1  }
0x4e: {  	s1 =	ssub.s32 @!p0 $0x0, s1;
	[sflag:s0] =	ssyncset.done @!p0 $0x0  }
0x4f: {  	[sflag:s0] =	ssyncadd.s32 @!p0 s1  }
0x50: {  	[bflag:$0x3] =	sbarrier.arrive $0xFFFF  }
0x51: {  	_ =	shalt  }

</sc_bundles>
